<compile_context>
chip_gen: v7x
topology: tpu7x:2x2x1
jax: 0.10.2.dev20260603
libtpu: 0.0.44.dev20260713+nightly
codegen_flags: <defaults>
</compile_context>

<pallas_src>
import jax
import jax.numpy as jnp
from jax.experimental import pallas as pl

B, N, D, H = 64, 1024, 192, 48
BT = 4096
G = (B * N) // BT


def _body(x_ref, lu_ref, mt_ref, w1_ref, b1_ref, w2_ref, b2_ref,
          out_ref, m_ref):
    xb = x_ref[...]
    ht = jax.lax.dot_general(
        w1_ref[...], xb, (((1,), (1,)), ((), ())),
        preferred_element_type=jnp.float32)
    g = jax.nn.gelu(ht + b1_ref[...])
    logit = jax.lax.dot_general(
        w2_ref[...], g, (((1,), (0,)), ((), ())),
        preferred_element_type=jnp.float32) + b2_ref[...]
    s = logit - lu_ref[0]
    m_ref[...] = (s > 0)[None].astype(jnp.int8)
    ones_row = jnp.ones((1, D), jnp.float32)
    smat = jax.lax.dot_general(
        s, ones_row, (((0,), (0,)), ((), ())),
        preferred_element_type=jnp.float32)
    out_ref[...] = jnp.where(smat > 0, mt_ref[...], xb)


def kernel(x, mask_token, W1, b1, W2, b2):
    u = jax.random.uniform(jax.random.key(42), (B, N, 1), jnp.float32)
    lu = (jnp.log(u) - jnp.log1p(-u)).reshape(G, 1, BT)
    x2 = x.reshape(B * N, D)
    masked, m8 = pl.pallas_call(
        _body,
        grid=(G,),
        in_specs=[
            pl.BlockSpec((BT, D), lambda g: (g, 0)),
            pl.BlockSpec((1, 1, BT), lambda g: (g, 0, 0)),
            pl.BlockSpec((1, D), lambda g: (0, 0)),
            pl.BlockSpec((H, D), lambda g: (0, 0)),
            pl.BlockSpec((H, 1), lambda g: (0, 0)),
            pl.BlockSpec((1, H), lambda g: (0, 0)),
            pl.BlockSpec((1, 1), lambda g: (0, 0)),
        ],
        out_specs=[
            pl.BlockSpec((BT, D), lambda g: (g, 0)),
            pl.BlockSpec((1, 1, BT), lambda g: (g, 0, 0)),
        ],
        out_shape=[
            jax.ShapeDtypeStruct((B * N, D), jnp.float32),
            jax.ShapeDtypeStruct((G, 1, BT), jnp.int8),
        ],
    )(x2, lu, mask_token.reshape(1, D), W1, b1.reshape(H, 1),
      W2, b2.reshape(1, 1))
    return masked.reshape(B, N, D), m8.reshape(B, N).astype(jnp.bool_)

# --- scband reference (transcript-rebuilt; emitter-appended) ---
"""Pipeline reference for scband-multi-modal-masking-1580547975339 (READ-ONLY COPY).

The authoritative reference and input builder live on the scoring server;
editing this copy changes nothing except your own understanding.
"""

import jax, jax.numpy as jnp
import numpy as np


def setup_inputs(seed: int = 0) -> dict:
    key = jax.random.key(seed)
    k1, k2, k3 = jax.random.split(key, 3)
    B, N, D = 64, 1024, 192
    x = jax.random.normal(k1, (B, N, D), dtype=jnp.float32)
    mask_token = jnp.zeros((1, 1, D), dtype=jnp.float32)
    W1 = jax.random.normal(k2, (D // 4, D), dtype=jnp.float32) * 0.02
    b1 = jnp.zeros((D // 4,), dtype=jnp.float32)
    W2 = jax.random.normal(k3, (1, D // 4), dtype=jnp.float32) * 0.02
    b2 = jnp.zeros((1,), dtype=jnp.float32)
    return {"x": x, "mask_token": mask_token, "W1": W1, "b1": b1, "W2": W2, "b2": b2}


def reference(x, mask_token, W1, b1, W2, b2):
    # mask_predictor: Linear(D, D//4) -> GELU -> Linear(D//4, 1) -> Sigmoid
    h = jax.nn.gelu(jnp.einsum('bnd,hd->bnh', x, W1) + b1)
    mask_prob = jax.nn.sigmoid(jnp.einsum('bnh,oh->bno', h, W2) + b2)  # [B, N, 1]
    # torch.bernoulli sampling (fixed key for determinism in the reference)
    mask = jax.random.bernoulli(jax.random.key(42), mask_prob)  # bool [B, N, 1]
    mask_squeezed = mask[..., 0]  # [B, N]
    # masked_x[mask_squeezed] = mask_token  (boolean scatter-overwrite)
    masked_x = jnp.where(mask_squeezed[..., None], mask_token, x)
    return masked_x, mask_squeezed

if __name__ == "__main__":
    import jax
    _d = setup_inputs()
    print(jax.jit(kernel)(*tuple(_d.values())))

</pallas_src>

<mosaic_0001>
module attributes {stable_mosaic.version = 14 : i64} {
  func.func @_body(%arg0: i32, %arg1: memref<4096x192xf32, #tpu.memory_space<vmem>>, %arg2: memref<1x1x4096xf32, #tpu.memory_space<vmem>>, %arg3: memref<1x192xf32, #tpu.memory_space<vmem>>, %arg4: memref<48x192xf32, #tpu.memory_space<vmem>>, %arg5: memref<48x1xf32, #tpu.memory_space<vmem>>, %arg6: memref<1x48xf32, #tpu.memory_space<vmem>>, %arg7: memref<1x1xf32, #tpu.memory_space<vmem>>, %arg8: memref<4096x192xf32, #tpu.memory_space<vmem>>, %arg9: memref<1x1x4096xi8, #tpu.memory_space<vmem>>) attributes {dimension_semantics = [#tpu.dimension_semantics<arbitrary>], iteration_bounds = array<i64: 16>, scalar_prefetch = 0 : i64, scratch_operands = 0 : i64, tpu.core_type = #tpu.core_type<tc>, window_params = [{transform_indices = @transform_0, window_bounds = array<i64: 4096, 192>}, {transform_indices = @transform_1, window_bounds = array<i64: 1, 1, 4096>}, {pipeline_mode = #tpu.pipeline_mode<synchronous>, transform_indices = @transform_2, window_bounds = array<i64: 1, 192>}, {pipeline_mode = #tpu.pipeline_mode<synchronous>, transform_indices = @transform_3, window_bounds = array<i64: 48, 192>}, {pipeline_mode = #tpu.pipeline_mode<synchronous>, transform_indices = @transform_4, window_bounds = array<i64: 48, 1>}, {pipeline_mode = #tpu.pipeline_mode<synchronous>, transform_indices = @transform_5, window_bounds = array<i64: 1, 48>}, {pipeline_mode = #tpu.pipeline_mode<synchronous>, transform_indices = @transform_6, window_bounds = array<i64: 1, 1>}, {transform_indices = @transform_7, window_bounds = array<i64: 4096, 192>}, {transform_indices = @transform_8, window_bounds = array<i64: 1, 1, 4096>}]} {
    %get3A = arith.constant 0 : index
    %get3A_0 = arith.constant 0 : index
    %get3A_1 = vector.load %arg1[%get3A, %get3A_0] : memref<4096x192xf32, #tpu.memory_space<vmem>>, vector<4096x192xf32>
    %get3A_2 = arith.constant 0 : index
    %get3A_3 = arith.constant 0 : index
    %get3A_4 = vector.load %arg4[%get3A_2, %get3A_3] : memref<48x192xf32, #tpu.memory_space<vmem>>, vector<48x192xf32>
    %dot_general3A = arith.constant dense<0.000000e+00> : vector<48x4096xf32>
    %dot_general3A_5 = tpu.matmul %get3A_4, %get3A_1, %dot_general3A {dimension_numbers = #tpu.dot_dimension_numbers<[1], [1], [0], [0], [0, 0, 1, 0], [], []>, transpose_lhs_hint = false} : vector<48x192xf32>, vector<4096x192xf32>, vector<48x4096xf32> -> vector<48x4096xf32>
    %get3A_6 = arith.constant 0 : index
    %get3A_7 = arith.constant 0 : index
    %get3A_8 = vector.load %arg5[%get3A_6, %get3A_7] : memref<48x1xf32, #tpu.memory_space<vmem>>, vector<48x1xf32>
    %add3A = vector.broadcast %get3A_8 : vector<48x1xf32> to vector<48x4096xf32>
    %add3A_9 = arith.addf %dot_general3A_5, %add3A : vector<48x4096xf32>
    %integer_pow3A = arith.mulf %add3A_9, %add3A_9 : vector<48x4096xf32>
    %integer_pow3A_10 = arith.mulf %add3A_9, %integer_pow3A : vector<48x4096xf32>
    %mul3A = arith.constant 4.471500e-02 : f32
    %mul3A_11 = vector.broadcast %mul3A : f32 to vector<48x4096xf32>
    %mul3A_12 = arith.mulf %mul3A_11, %integer_pow3A_10 : vector<48x4096xf32>
    %add3A_13 = arith.addf %add3A_9, %mul3A_12 : vector<48x4096xf32>
    %mul3A_14 = arith.constant 0.797884583 : f32
    %mul3A_15 = vector.broadcast %mul3A_14 : f32 to vector<48x4096xf32>
    %mul3A_16 = arith.mulf %mul3A_15, %add3A_13 : vector<48x4096xf32>
    %tanh3A = math.tanh %mul3A_16 : vector<48x4096xf32>
    %add3A_17 = arith.constant 1.000000e+00 : f32
    %add3A_18 = vector.broadcast %add3A_17 : f32 to vector<48x4096xf32>
    %add3A_19 = arith.addf %add3A_18, %tanh3A : vector<48x4096xf32>
    %mul3A_20 = arith.constant 5.000000e-01 : f32
    %mul3A_21 = vector.broadcast %mul3A_20 : f32 to vector<48x4096xf32>
    %mul3A_22 = arith.mulf %mul3A_21, %add3A_19 : vector<48x4096xf32>
    %mul3A_23 = arith.mulf %add3A_9, %mul3A_22 : vector<48x4096xf32>
    %get3A_24 = arith.constant 0 : index
    %get3A_25 = arith.constant 0 : index
    %get3A_26 = vector.load %arg6[%get3A_24, %get3A_25] : memref<1x48xf32, #tpu.memory_space<vmem>>, vector<1x48xf32>
    %dot_general3A_27 = arith.constant dense<0.000000e+00> : vector<1x4096xf32>
    %dot_general3A_28 = tpu.matmul %get3A_26, %mul3A_23, %dot_general3A_27 {dimension_numbers = #tpu.dot_dimension_numbers<[1], [0], [0], [1], [0, 0, 1, 1], [], []>, transpose_lhs_hint = false} : vector<1x48xf32>, vector<48x4096xf32>, vector<1x4096xf32> -> vector<1x4096xf32>
    %get3A_29 = arith.constant 0 : index
    %get3A_30 = arith.constant 0 : index
    %get3A_31 = vector.load %arg7[%get3A_29, %get3A_30] : memref<1x1xf32, #tpu.memory_space<vmem>>, vector<1x1xf32>
    %add3A_32 = vector.broadcast %get3A_31 : vector<1x1xf32> to vector<1x4096xf32>
    %add3A_33 = arith.addf %dot_general3A_28, %add3A_32 : vector<1x4096xf32>
    %get3A_34 = arith.constant 0 : index
    %get3A_35 = arith.constant 0 : index
    %get3A_36 = arith.constant 0 : index
    %get3A_37 = vector.load %arg2[%get3A_34, %get3A_35, %get3A_36] : memref<1x1x4096xf32, #tpu.memory_space<vmem>>, vector<1x1x4096xf32>
    %get3A_38 = vector.shape_cast %get3A_37 : vector<1x1x4096xf32> to vector<1x4096xf32>
    %sub3A = arith.subf %add3A_33, %get3A_38 : vector<1x4096xf32>
    %gt3A = arith.constant 0.000000e+00 : f32
    %gt3A_39 = vector.broadcast %gt3A : f32 to vector<1x4096xf32>
    %gt3A_40 = arith.cmpf ogt, %sub3A, %gt3A_39 : vector<1x4096xf32>
    %broadcast_in_dim3A = vector.shape_cast %gt3A_40 : vector<1x4096xi1> to vector<1x1x4096xi1>
    %convert_element_type3A = arith.extui %broadcast_in_dim3A : vector<1x1x4096xi1> to vector<1x1x4096xi8>
    %swap3A = arith.constant 0 : index
    %swap3A_41 = arith.constant 0 : index
    %swap3A_42 = arith.constant 0 : index
    %swap3A_43 = vector.load %arg9[%swap3A, %swap3A_41, %swap3A_42] : memref<1x1x4096xi8, #tpu.memory_space<vmem>>, vector<1x1x4096xi8>
    tpu.vector_store %arg9[%swap3A, %swap3A_41, %swap3A_42], %convert_element_type3A {strides = array<i32>} : memref<1x1x4096xi8, #tpu.memory_space<vmem>>, vector<1x1x4096xi8>,
    %broadcast_in_dim3A_44 = arith.constant 1.000000e+00 : f32
    %broadcast_in_dim3A_45 = vector.broadcast %broadcast_in_dim3A_44 : f32 to vector<1x192xf32>
    %dot_general3A_46 = arith.constant dense<0.000000e+00> : vector<4096x192xf32>
    %dot_general3A_47 = tpu.matmul %sub3A, %broadcast_in_dim3A_45, %dot_general3A_46 {dimension_numbers = #tpu.dot_dimension_numbers<[0], [0], [1], [1], [0, 1, 1, 1], [], []>, transpose_lhs_hint = false} : vector<1x4096xf32>, vector<1x192xf32>, vector<4096x192xf32> -> vector<4096x192xf32>
    %gt3A_48 = arith.constant 0.000000e+00 : f32
    %gt3A_49 = vector.broadcast %gt3A_48 : f32 to vector<4096x192xf32>
    %gt3A_50 = arith.cmpf ogt, %dot_general3A_47, %gt3A_49 : vector<4096x192xf32>
    %get3A_51 = arith.constant 0 : index
    %get3A_52 = arith.constant 0 : index
    %get3A_53 = vector.load %arg3[%get3A_51, %get3A_52] : memref<1x192xf32, #tpu.memory_space<vmem>>, vector<1x192xf32>
    %broadcast_in_dim3A_54 = vector.shape_cast %get3A_53 : vector<1x192xf32> to vector<1x192xf32>
    %broadcast_in_dim3A_55 = vector.broadcast %broadcast_in_dim3A_54 : vector<1x192xf32> to vector<4096x192xf32>
    %select_n3A = arith.select %gt3A_50, %broadcast_in_dim3A_55, %get3A_1 : vector<4096x192xi1>, vector<4096x192xf32>
    %swap3A_56 = arith.constant 0 : index
    %swap3A_57 = arith.constant 0 : index
    %swap3A_58 = vector.load %arg8[%swap3A_56, %swap3A_57] : memref<4096x192xf32, #tpu.memory_space<vmem>>, vector<4096x192xf32>
    tpu.vector_store %arg8[%swap3A_56, %swap3A_57], %select_n3A {strides = array<i32>} : memref<4096x192xf32, #tpu.memory_space<vmem>>, vector<4096x192xf32>,
    return
  }
  func.func @transform_0(%arg0: i32) -> (i32, i32) {
    %c0_i32 = arith.constant 0 : i32
    %c0_i32_0 = arith.constant 0 : i32
    return %arg0, %c0_i32 : i32, i32
  }
  func.func @transform_1(%arg0: i32) -> (i32, i32, i32) {
    %c0_i32 = arith.constant 0 : i32
    %c0_i32_0 = arith.constant 0 : i32
    %c0_i32_1 = arith.constant 0 : i32
    return %arg0, %c0_i32, %c0_i32_0 : i32, i32, i32
  }
  func.func @transform_2(%arg0: i32) -> (i32, i32) {
    %c0_i32 = arith.constant 0 : i32
    %c0_i32_0 = arith.constant 0 : i32
    %c0_i32_1 = arith.constant 0 : i32
    return %c0_i32, %c0_i32_0 : i32, i32
  }
  func.func @transform_3(%arg0: i32) -> (i32, i32) {
    %c0_i32 = arith.constant 0 : i32
    %c0_i32_0 = arith.constant 0 : i32
    %c0_i32_1 = arith.constant 0 : i32
    return %c0_i32, %c0_i32_0 : i32, i32
  }
  func.func @transform_4(%arg0: i32) -> (i32, i32) {
    %c0_i32 = arith.constant 0 : i32
    %c0_i32_0 = arith.constant 0 : i32
    %c0_i32_1 = arith.constant 0 : i32
    return %c0_i32, %c0_i32_0 : i32, i32
  }
  func.func @transform_5(%arg0: i32) -> (i32, i32) {
    %c0_i32 = arith.constant 0 : i32
    %c0_i32_0 = arith.constant 0 : i32
    %c0_i32_1 = arith.constant 0 : i32
    return %c0_i32, %c0_i32_0 : i32, i32
  }
  func.func @transform_6(%arg0: i32) -> (i32, i32) {
    %c0_i32 = arith.constant 0 : i32
    %c0_i32_0 = arith.constant 0 : i32
    %c0_i32_1 = arith.constant 0 : i32
    return %c0_i32, %c0_i32_0 : i32, i32
  }
  func.func @transform_7(%arg0: i32) -> (i32, i32) {
    %c0_i32 = arith.constant 0 : i32
    %c0_i32_0 = arith.constant 0 : i32
    return %arg0, %c0_i32 : i32, i32
  }
  func.func @transform_8(%arg0: i32) -> (i32, i32, i32) {
    %c0_i32 = arith.constant 0 : i32
    %c0_i32_0 = arith.constant 0 : i32
    %c0_i32_1 = arith.constant 0 : i32
    return %arg0, %c0_i32, %c0_i32_0 : i32, i32, i32
  }
}

</mosaic_0001>

<sc_bundles>
// kernel: sparse-core-data-format-call.cloned.1.call-start
scs
called_computation_lowered:
.L_overlay_start_0:
0x0: {  	s2 =	sld [smem:$0x3FD9]  }
0x1: {  	s3 =	sld [smem:$0x3FFE];
	_ =	sdelay $0x1  }
0x2: {  	s1 =	srdreg.scid  }
0x3: {  	s0 =	sand.u32 $0x1, s1  }
0x4: {  	s15 =	sshll.u32 s0, $0xA;
	s2 =	sadd.s32 s3, s2  }
0x5: {  	s2 =	sadd.s32 s2, s15  }
0x6: {  	[smem:$0x3FC2] =	sst s2  }
0x7: {  	_ = 	snop  }
0x8: {  	s2 =	sld [smem:$0x3FD0];
	_ =	sdelay $0x2  }
0x9: {  	s16 =	simm.s32 $0xA;
	s4 =	simm.s32 $0x10  }
0xa: {  	[smem:s4], [sflag:s16] =	dma.local [hbm:s2], $0x1  }
0xb: {  	_ =	swait.eq [sflag:s16], $0x1  }
0xc: {  	[sflag:s16] =	ssyncset.done $0x0  }
0xd: {  	[sflag:s16] =	ssyncadd.s32 $0xFFFFFFFF  }
0xe: {  	s17 =	sld [smem:$0x10];
	(tm) =	ssettm $0x1  }
0xf: {  	s18 =	sld [smem:$0x3FFB];
	_ =	sdelay $0x3  }
0x10: {  	_ =	strace s18  }
0x11: {  	s3 =	sld [smem:$0x3FFC];
	_ =	sdelay $0x3  }
0x12: {  	_ =	strace s3  }
0x13: {  	s3 =	sld [smem:$0x3FFD];
	_ =	sdelay $0x3  }
0x14: {  	_ =	strace s3  }
0x15: {  	_ =	strace $0x8FFFFFFF  }
0x16: {  	s19 =	sld [smem:$0x3FDB];
	_ =	sdelay $0x1  }
0x17: {  	s20 =	simm.s32 $_scs_section_size  }
0x18: {  	s5 =	simm.s32 $_size__tile_overlayer_lowered;
	s6 =	simm.s32 $_tile_overlayer_lowered  }
0x19: {  	s23 =	simm.s32 $0x1BFF;
	s22 =	sshll.u32 s6, $0x1;
	s3 =	sadd.s32 s20, s19  }
0x1a: {  	s7 =	simm.s32 $0x0;
	s21 =	sshll.u32 s5, $0x1;
	s5 =	sadd.s32 s22, s3  }
0x1b: {  	[timem:s7], [sflag:s23] =	dma.local [hbm:s5], s21  }
0x1c: {  	_ =	swait.ge [sflag:s23], s21  }
0x1d: {  	s4 =	ssub.s32 $0x0, s21;
	[sflag:s23] =	ssyncset.done $0x0  }
0x1e: {  	[sflag:s23] =	ssyncadd.s32 s4;
	_ =	sdelay $0x1  }
0x1f: {  	s24 =	simm.s32 $0x1B8B  }
0x20: {  	_ =	swait.ge [sflag:s24], $0x1  }
0x21: {  	[sflag:s24] =	ssyncset.done $0x0  }
0x22: {  	s26 =	simm.s32 $0x1B8E;
	s25 =	sld [smem:$0x3FFE];
	[sflag:s24] =	ssyncadd.s32 $0xFFFFFFFF  }
0x23: {  	s27 =	simm.s32 $execute0_lowered;
	[smem:$0x3FD2] =	sst s26  }
0x24: {  	s5 =	sshll.u32 s27, $0x1;
	_ =	strace $0x80000046;
	[dreg:$0x1] =	wrdreg $0xFFFFFFFF  }
0x25: {  	s28 =	simm.s32 $_size_execute0_lowered;
	s3 =	sadd.s32 s3, s5;
	[dreg:$0x0] =	wrdreg $0x0  }
0x26: {  	s5 =	sshll.u32 s28, $0x1;
	[dreg:$0x2] =	wrdreg s3  }
0x27: {  	[dreg:$0x3] =	wrdreg s5  }
0x28: {  	[dreg:$0x4] =	wrdreg $0xC0  }
0x29: {  	_ =	task [dreg:s7], $0x5FFFF  }
0x2a: {  	[dreg:$0x1] =	wrdreg $0xFFFFFFFF  }
0x2b: {  	[dreg:$0x0] =	wrdreg $0x60  }
0x2c: {  	[dreg:$0x2] =	wrdreg s25  }
0x2d: {  	[dreg:$0x3] =	wrdreg s17  }
0x2e: {  	[dreg:$0x4] =	wrdreg $0x9  }
0x2f: {  	_ =	task.clear_ibuf [dreg:s7], $0x5FFFF;
	_ =	strace $0x90000046  }
0x30: {  	s29 =	simm.s32 $0x9;
	_ =	strace $0x80000048  }
0x31: {  	_ =	swait.ge [sflag:s29], $0x1  }
0x32: {  	[sflag:s29] =	ssyncadd.s32 $0xFFFFFFFF  }
0x33: {  	_ =	strace $0x90000048  }
0x34: {  	_ =	sfence  }
0x35: {  	s30 =	sld [smem:$0x0];
	_ =	sdelay $0x2  }
0x36: {  	s31 =	sshll.u32 s1, $0xD;
	s1 =	sshrl.u32 s1, $0x2  }
0x37: {  	s3 =	sand.u32 $0x4000, s31;
	s1 =	sadd.s32 s1, s30  }
0x38: {  	s0 =	sor.u32 s3, s0;
	s1 =	sshll.u32 s1, $0x11  }
0x39: {  	s0 =	sor.u32 s1, s0  }
0x3a: {  	s0 =	sadd.s32 $0x8F2B, s0  }
0x3b: {  	[sflag:s0] =	ssyncadd.remote.s32 $0x1  }
0x3c: {  	_ =	sfence.sel $0xFFFF  }
0x3d: {  	[dreg:$0x0] =	wrdreg $0xFFFFFFFF;
	(pc) =	sbr.abs _section_cstart, $3  }
0x3e: {  	[dreg:$0x1] =	wrdreg $0xFFFFFFFF  }
0x3f: {  	_ =	task.clear_ibuf [dreg:s7], $0x2FFFF;
	_ =	strace $0x9FFFFFFF  }
0x40: {  	(tm) =	ssettm $0x7FFFFFFF  }
0x41: {  	_ =	shalt  }
tec
execute0_lowered:
.L_overlay_start_1:
0x0: {  	(tag) =	ssettag $0x1  }
0x1: {  	s1 =	rddreg [dreg:$0x0]  }
0x2: {  	s2 =	rddreg [dreg:$0x1]  }
0x3: {  	s0 =	rddreg [dreg:$0x2]  }
0x4: {  	s4 =	srdreg.scid;
	_ =	strace $0x80000047;
	s6 =	simm.s32 $0x2  }
0x5: {  	s14 =	simm.s32 $0x0;
	p0 =	por $0x0, $0x0;
	s15 =	simm.s32 $0x0  }
0x6: {  	s16 =	simm.s32 $0x0;
	s7 =	simm.s32 $0x0;
	s9 =	simm.s32 $0x0  }
.Ltmp0:
0x7: {  	s10 =	simm.s32 $0x0;
	s11 =	simm.s32 $0x0;
	(pc) =	sbr.rel .LBB1_1-.Ltmp0, $4  }
0x8: {  	s12 =	simm.s32 $0x0;
	s3 =	sadd.s32 $0x200800, s1;
	s4 =	sshll.u32 s4, $0x4  }
0x9: {  	s1 =	stileid.u32;
	s5 =	sand.u32 $0x10, s4;
	s4 =	simm.s32 $0x1  }
0xa: {  	s8 =	simm.s32 $0x0;
	s5 =	sor.u32 s1, s5;
	[sflag:s4] =	ssyncpa.u1 $0x0  }
0xb: {  	[sflag:s6] =	ssyncpa.u1 $0x0;
	s6 =	simm.s32 $0x2000;
	s13 =	smov.u32 s5  }
.LBB1_5:
0xc: {  	p1 =	slt.u32 s8, $0x2  }
0xd: {  	p2 =	sgt.s32 @!p1 s16, $0x3F  }
0xe: {  	s17 =	smov.u32 s16;
	s18 =	sshra.s32 @!p1 s16, $0x1F;
	p2 =	por !p2, p1  }
0xf: {  	s16 =	sand.u32 @!p1 s18, s16;
	s17 =	simm.s32 @p2 $0x3F  }
0x10: {  	p3 =	sgt.s32 @!p1 s15, $0x380;
	s16 =	ssub.s32 @!p1 s17, s16  }
0x11: {  	p3 =	por !p3, p1;
	s18 =	sshra.s32 @!p1 s15, $0x1F;
	s17 =	sadd.s32 @!p1 $0xFFFFFFC1, s16  }
0x12: {  	s16 =	ssub.s32 @!p1 $0x40, s16;
	p2 =	sgt.s32 @!p1 s17, $0x0;
	s17 =	smov.u32 s15  }
0x13: {  	s15 =	sand.u32 @!p1 s18, s15;
	s17 =	simm.s32 @p3 $0x380;
	p3 =	sgt.s32 @!p1 s14, $0x40  }
0x14: {  	s18 =	smov.u32 s14;
	p2 =	por !p2, p1;
	p3 =	por !p3, p1  }
0x15: {  	s15 =	ssub.s32 @!p1 s17, s15;
	s17 =	sshra.s32 @!p1 s14, $0x1F;
	s16 =	simm.s32 @!p2 $0x0  }
0x16: {  	s18 =	simm.s32 @p3 $0x40;
	s14 =	sand.u32 @!p1 s17, s14;
	s17 =	sadd.s32 @!p1 $0xFFFFFC80, s15  }
0x17: {  	s15 =	ssub.s32 @!p1 $0x400, s15;
	s14 =	ssub.s32 @!p1 s18, s14;
	p2 =	sgt.s32 @!p1 s17, $0x7F  }
0x18: {  	s18 =	smov.u32 s12;
	s17 =	sadd.s32 @!p1 $0xFFFFFFC0, s14;
	p2 =	por !p2, p1  }
0x19: {  	s14 =	ssub.s32 @!p1 $0xC0, s14;
	p3 =	sgt.s32 @!p1 s17, $0x7F;
	s15 =	simm.s32 @!p2 $0x0  }
0x1a: {  	s17 =	sadd.s32 $0x80, s11;
	p2 =	por !p3, p1;
	s15 =	smul.u32 @!p1 s16, s15  }
0x1b: {  	s16 =	sadd.s32 $0x80, s12;
	s14 =	simm.s32 @!p2 $0x0;
	p2 =	sgt.s32 s17, $0xBF  }
0x1c: {  	s19 =	smov.u32 s13;
	s18 =	smov.u32 @p2 s16  }
0x1d: {  	s14 =	smul.u32 @!p1 s14, s15;
	s15 =	sadd.s32 $0x20, s13;
	p3 =	sgt.s32 s18, $0x3FF  }
0x1e: {  	s8 =	sadd.s32 $0x1, s8;
	p0 =	por !p0, !p0;
	s19 =	smov.u32 @p3 s15  }
0x1f: {  	s20 =	simm.s32 @!p1 $0x2;
	s17 =	simm.s32 @p2 $0x0;
	p2 =	sgt.s32 s19, $0x3F  }
0x20: {  	s16 =	smov.u32 s10;
	s19 =	smov.u32 @p2 s5;
	p2 =	sne.s32 s8, $0x22  }
.Ltmp1:
0x21: {  	s10 =	smov.u32 s13;
	s14 =	sand.u32 @!p1 $0x3FFFFFFF, s14;
	(pc) =	sbr.rel @!p2 .LBB1_6-.Ltmp1, $4  }
0x22: {  	s18 =	simm.s32 @p3 $0x0;
	s15 =	smov.u32 s9;
	s9 =	smov.u32 s12  }
0x23: {  	_ =	swait.ge @!p1 [sflag:s20], s14;
	s21 =	ssub.s32 @!p1 $0x0, s14;
	s14 =	smov.u32 s7  }
0x24: {  	s7 =	smov.u32 s11;
	s11 =	smov.u32 s17;
	[sflag:s20] =	ssyncset.done @!p1 $0x0  }
0x25: {  	s12 =	smov.u32 s18;
	[sflag:s20] =	ssyncadd.s32 @!p1 s21;
	s13 =	smov.u32 s19  }
.LBB1_1:
0x26: {  	p1 =	sgt.u32 s8, $0x1F  }
0x27: {  	s17 =	sxor.u32 @!p1 $0xFFFFFFFF, s8  }
0x28: {  	s18 =	sshll.u32 @!p1 s12, $0x8;
	s19 =	sshll.u32 @!p1 s11, $0x3;
	s20 =	sshll.u32 @!p1 s12, $0x7  }
0x29: {  	s21 =	sand.u32 @!p1 $0x78, s11;
	s18 =	sand.u32 @!p1 $0x3F800, s18;
	s19 =	sand.u32 @!p1 $0x3FC00, s19  }
0x2a: {  	s17 =	sshll.u32 @!p1 s17, $0xE;
	s18 =	sadd.s32 @!p1 s18, s19;
	s19 =	sand.u32 @!p1 $0x300, s20  }
0x2b: {  	s17 =	sand.u32 @!p1 $0x4000, s17;
	s18 =	sor.u32 @!p1 s19, s18;
	s19 =	sand.u32 @!p1 $0x80, s20  }
0x2c: {  	s20 =	sshll.u32 @!p1 s13, $0xF;
	s19 =	sor.u32 @!p1 s21, s19;
	s18 =	sshrl.u32 @!p1 s18, $0x3  }
0x2d: {  	s20 =	sadd.s32 @!p1 s3, s20;
	s21 =	sand.u32 @!p1 $0x7, s11;
	s19 =	sshrl.u32 @!p1 s19, $0x3  }
0x2e: {  	s18 =	sand.u32 @!p1 $0x7FE0, s18;
	s19 =	sadd.s32 @!p1 s19, s20;
	s20 =	sshll.u32 @!p1 s21, $0x12  }
0x2f: {  	s18 =	sadd.s32 @!p1 s18, s19;
	s19 =	sor.u32 @!p1 $0x400, s20;
	s20 =	simm.s32 @!p1 $0x800  }
0x30: {  	[tilespmem:s17], [sflag:$0x1] =	stream.strided.gather @!p1 [hbm4b:s18+s19], $0x4000, s20, s19, $0x38;
	[tilespmem:$0x10100] =	vst v63  }
0x31: {  	p1 =	seq.s32 s8, $0x0  }
0x32: {  	p2 =	seq.s32 @!p1 s8, $0x21  }
0x33: {  	p1 =	por p1, p2  }
.Ltmp2:
0x34: {  	_ = 	snop;
	(pc) =	sbr.rel @p1 .LBB1_5-.Ltmp2, $1  }
0x35: {  	_ =	sdelay $0x3  }
0x36: {  	s17 =	simm.s32 $0x1  }
0x37: {  	_ =	swait.ge [sflag:s4], $0x4000;
	s17 =	simm.s32 @!p0 $0x0  }
0x38: {  	[sflag:s4] =	ssyncset.done $0x0;
	s18 =	sshll.u32 s17, $0xE  }
0x39: {  	[sflag:s4] =	ssyncadd.s32 $0xFFFFC000;
	s18 =	sor.u32 $0x40, s18  }
0x3a: {  	s17 =	smul.u32 $0x10200, s17;
	v0 =	vld [tilespmem:s18+$0x30]  }
0x3b: {  	v1 =	vld [tilespmem:s18+$0xFFFFFFD0]  }
0x3c: {  	s17 =	sshrl.u32 s17, $0x2;
	v5 =	vld [tilespmem:s18+$0xFFFFFFE0]  }
0x3d: {  	v6 =	vld [tilespmem:s18+$0xFFFFFFF0];
	s20 =	sor.u32 $0x8000, s17  }
0x3e: {  	s31 =	sand.u32 $0x1, s8;
	v4 =	vld [tilespmem:s18+$0x0];
	s19 =	sadd.s32 $0x0, s20  }
0x3f: {  	v3 =	vld [tilespmem:s18+$0x10];
	s17 =	smul.u32 $0x10200, s31;
	[tilespmem:s19+$0x3870 ss:$0x81] =	vst.msk $0xffff, v0  }
0x40: {  	v2 =	vld [tilespmem:s18+$0x20];
	[tilespmem:s19+$0x810 ss:$0x81] =	vst.msk $0xffff, v1  }
0x41: {  	s17 =	sshrl.u32 s17, $0x2;
	v1 =	vld [tilespmem:s18+$0xFFFFFFC0];
	[tilespmem:s19+$0x1020 ss:$0x81] =	vst.msk $0xffff, v5;
	s18 =	sadd.s32 $0x80, s18  }
0x42: {  	s21 =	simm.s32 $0x4;
	s22 =	simm.s32 $0x8;
	s17 =	sor.u32 $0x8000, s17;
	[tilespmem:s19+$0x1830 ss:$0x81] =	vst.msk $0xffff, v6;
	v0 =	vld [tilespmem:s18+$0x30]  }
.LBB1_3:
0x43: {  	p1 =	sne.s32 s22, $0x1FC;
	v5 =	vld [tilespmem:s18+$0xFFFFFFD0];
	[tilespmem:s19+$0x2040 ss:$0x81] =	vst.msk $0xffff, v4  }
0x44: {  	v6 =	vld [tilespmem:s18+$0xFFFFFFE0];
	[tilespmem:s19+$0x2850 ss:$0x81] =	vst.msk $0xffff, v3  }
0x45: {  	s23 =	sshra.s32 s21, $0x2;
	s21 =	smov.u32 s22;
	v7 =	vld [tilespmem:s18+$0xFFFFFFF0];
	[tilespmem:s19+$0x3060 ss:$0x81] =	vst.msk $0xffff, v2  }
.Ltmp3:
0x46: {  	v4 =	vld [tilespmem:s18+$0x0];
	[tilespmem:s19+$0x0 ss:$0x81] =	vst.msk $0xffff, v1;
	s19 =	sadd.s32 s23, s20;
	(pc) =	sbr.rel @p1 .LBB1_3-.Ltmp3, $4  }
0x47: {  	v3 =	vld [tilespmem:s18+$0x10];
	[tilespmem:s19+$0x3870 ss:$0x81] =	vst.msk $0xffff, v0  }
0x48: {  	[tilespmem:s19+$0x810 ss:$0x81] =	vst.msk $0xffff, v5;
	v2 =	vld [tilespmem:s18+$0x20]  }
0x49: {  	v1 =	vld [tilespmem:s18+$0xFFFFFFC0];
	[tilespmem:s19+$0x1020 ss:$0x81] =	vst.msk $0xffff, v6;
	s18 =	sadd.s32 $0x80, s18  }
0x4a: {  	s22 =	sadd.s32 $0x4, s22;
	v0 =	vld [tilespmem:s18+$0x30];
	[tilespmem:s19+$0x1830 ss:$0x81] =	vst.msk $0xffff, v7  }
0x4b: {  	s22 =	sshll.u32 s7, $0xA  }
0x4c: {  	s21 =	sshra.s32 s21, $0x2;
	s23 =	sshll.u32 s9, $0x3;
	p1 =	sgt.s32 s10, $0x3F  }
0x4d: {  	s24 =	smov.u32 s10;
	s25 =	sshra.s32 s10, $0x1F;
	p2 =	sgt.s32 s9, $0x380  }
0x4e: {  	s28 =	sshra.s32 s9, $0x1F;
	s26 =	sshra.s32 s7, $0x1F;
	s22 =	sand.u32 $0xFFFFE000, s22  }
0x4f: {  	s23 =	sand.u32 $0xFFFFFC00, s23;
	s24 =	simm.s32 @!p1 $0x3F;
	s25 =	sand.u32 s25, s10  }
0x50: {  	s20 =	sadd.s32 s21, s20;
	s26 =	sand.u32 s26, s7;
	s30 =	sadd.s32 s23, s22  }
0x51: {  	v5 =	vld [tilespmem:s18+$0xFFFFFFD0];
	[tilespmem:s19+$0x2040 ss:$0x81] =	vst.msk $0xffff, v4;
	s31 =	ssub.s32 s24, s25;
	s24 =	smov.u32 s9;
	s25 =	smov.u32 s7  }
0x52: {  	v58 =	vld [tilespmem:s18+$0xFFFFFFE0];
	[tilespmem:s19+$0x2850 ss:$0x81] =	vst.msk $0xffff, v3;
	s23 =	sand.u32 s28, s9;
	s28 =	smul.u32 $0x6000, s10;
	s21 =	sshrl.u32 s30, $0xA  }
0x53: {  	v59 =	vld [tilespmem:s18+$0xFFFFFFF0];
	[tilespmem:s19+$0x3060 ss:$0x81] =	vst.msk $0xffff, v2;
	s27 =	sadd.s32 $0xFFFFFFC1, s31;
	s24 =	simm.s32 @!p2 $0x380;
	p2 =	sgt.s32 s7, $0x40  }
0x54: {  	v60 =	vld [tilespmem:s18+$0x0];
	[tilespmem:s19+$0x0 ss:$0x81] =	vst.msk $0xffff, v1;
	s19 =	ssub.s32 $0x40, s31;
	p1 =	sgt.s32 s27, $0x0;
	s25 =	simm.s32 @!p2 $0x40  }
0x55: {  	v61 =	vld [tilespmem:s18+$0x10];
	s23 =	ssub.s32 s24, s23;
	s29 =	smulhi.u32 $0x1555556, s21;
	s27 =	sshll.u32 s7, $0x7  }
0x56: {  	v62 =	vld [tilespmem:s18+$0x20];
	s25 =	ssub.s32 s25, s26;
	s30 =	sadd.s32 $0xFFFFFC80, s23;
	s22 =	ssub.s32 $0x400, s23  }
0x57: {  	v63 =	vld [tilespmem:s18+$0xFFFFFFC0];
	[tilespmem:s20+$0x3870 ss:$0x81] =	vst.msk $0xffff, v0;
	s19 =	simm.s32 @p1 $0x0;
	s26 =	sand.u32 $0x78, s9;
	s18 =	sand.u32 $0x380, s27  }
0x58: {  	[tilespmem:s20+$0x810 ss:$0x81] =	vst.msk $0xffff, v5;
	p2 =	sgt.s32 s30, $0x7F;
	s31 =	sadd.s32 $0xFFFFFFC0, s25;
	s24 =	smul.u32 $0xC0, s29  }
0x59: {  	[tilespmem:s20+$0x1020 ss:$0x81] =	vst.msk $0xffff, v58;
	s25 =	ssub.s32 $0xC0, s25;
	s18 =	sor.u32 s26, s18;
	s22 =	simm.s32 @p2 $0x0  }
0x5a: {  	[tilespmem:s20+$0x1830 ss:$0x81] =	vst.msk $0xffff, v59;
	s29 =	sand.u32 $0x7, s9;
	p1 =	sgt.s32 s31, $0x7F;
	s19 =	smul.u32 s19, s22  }
.Ltmp4:
0x5b: {  	[tilespmem:s20+$0x2040 ss:$0x81] =	vst.msk $0xffff, v60;
	s18 =	sshrl.u32 s18, $0x3;
	s25 =	simm.s32 @p1 $0x0;
	(pc) =	sbr.rel .LBB1_5-.Ltmp4, $4  }
0x5c: {  	[tilespmem:s20+$0x2850 ss:$0x81] =	vst.msk $0xffff, v61;
	s21 =	ssub.s32 s21, s24;
	s22 =	sadd.s32 s2, s28;
	s19 =	smul.u32 s25, s19  }
0x5d: {  	[tilespmem:s20+$0x3060 ss:$0x81] =	vst.msk $0xffff, v62;
	s30 =	sshll.u32 s29, $0x12;
	s21 =	sshll.u32 s21, $0x7;
	s18 =	sadd.s32 s18, s22  }
0x5e: {  	[tilespmem:s20+$0x0 ss:$0x81] =	vst.msk $0xffff, v63;
	s31 =	sor.u32 $0x400, s30;
	s18 =	sadd.s32 s21, s18;
	s19 =	sand.u32 $0x3FFFFFFF, s19  }
0x5f: {  	[hbm4b:s18+s31] =	stream.strided.scatter [tilespmem:s17], [sflag:$0x2], s19, s6, s31, $0x20;
	[tilespmem:$0x10100] =	vst v63  }
.LBB1_6:
0x60: {  	_ =	sfence.sel $0x180000  }
0x61: {  	s2 =	simm.s32 $0x1;
	[bflag:$0x0] =	sbarrier.arrive $0xFFFF  }
0x62: {  	s31 =	simm.s32 $0x2;
	[sflag:s2] =	ssyncpa.u1 $0x1  }
0x63: {  	[sflag:s31] =	ssyncpa.u1 $0x1  }
0x64: {  	p0 =	sne.s32 s1, $0x0;
	_ =	strace $0x90000047  }
0x65: {  	s0 =	sadd.s32 @!p0 $0x100000, s0;
	[bflag:$0x2] =	sbarrier.arrive $0xFFFF  }
0x66: {  	[sflag:s0] =	ssyncadd.tile.s32 @!p0 $0x1;
	_ =	shalt  }
.Lfunc_end1:
_tile_overlayer_lowered:
.L_overlay_start_2:
0x67: {  	(tag) =	ssettag $0x2  }
0x68: {  	s0 =	rddreg [dreg:$0x0];
	s2 =	stileid.u32  }
0x69: {  	s1 =	rddreg [dreg:$0x1];
	p0 =	sne.s32 s2, $0x0  }
0x6a: {  	s3 =	rddreg [dreg:$0x2];
	[bflag:$0x3] =	sbarrier.arrive $0xFFFF;
	s2 =	simm.s32 @!p0 $0x1C01  }
0x6b: {  	[timem:s3], [sflag:s2] =	dma.local @!p0 [hbm:s0], s1  }
0x6c: {  	s0 =	simm.s32 @!p0 $0x1  }
0x6d: {  	_ =	swait.ge @!p0 [sflag:s0], s1  }
0x6e: {  	s1 =	ssub.s32 @!p0 $0x0, s1;
	[sflag:s0] =	ssyncset.done @!p0 $0x0  }
0x6f: {  	[sflag:s0] =	ssyncadd.s32 @!p0 s1  }
0x70: {  	[bflag:$0x3] =	sbarrier.arrive $0xFFFF  }
0x71: {  	_ =	shalt  }

</sc_bundles>
